<compile_context>
chip_gen: v7x
topology: tpu7x:2x2x1
jax: 0.10.2.dev20260603
libtpu: 0.0.44.dev20260713+nightly
codegen_flags: <defaults>
</compile_context>

<pallas_src>
import functools

import jax
import jax.numpy as jnp
from jax import lax
from jax.experimental import pallas as pl
from jax.experimental.pallas import tpu as pltpu
from jax.experimental.pallas import tpu_sc as plsc

NUM_HEADS = 16
NEG = float(jnp.finfo(jnp.float32).min)


def _mask_body(dec_mask_ref, enc_mask_ref, ehs_ref,
               dec_out_ref, enc_out_ref, ehs_out_ref):
    i = pl.program_id(0)
    _, _, R, S = dec_out_ref.shape
    row = i * R + lax.broadcasted_iota(jnp.int32, (1, 1, R, S), 2)
    col = lax.broadcasted_iota(jnp.int32, (1, 1, R, S), 3)
    m = dec_mask_ref[0, :].astype(jnp.float32)[None, None, None, :]
    b = (1.0 - m) * NEG
    dec_out_ref[...] = jnp.where(col <= row, b, NEG)
    e = enc_mask_ref[0, :].astype(jnp.float32)[None, None, None, :]
    enc_out_ref[...] = (1.0 - e) * NEG
    ehs_out_ref[...] = ehs_ref[...]


def _make_masks(dec_mask, enc_mask, ehs_flat):
    _, s_dec = dec_mask.shape
    _, s_enc = enc_mask.shape
    n_ehs, d_model = ehs_flat.shape
    rows_per_step = 512
    grid = s_dec // rows_per_step
    er = n_ehs // grid
    return pl.pallas_call(
        _mask_body,
        grid=(grid,),
        in_specs=[
            pl.BlockSpec((1, s_dec), lambda i: (0, 0)),
            pl.BlockSpec((1, s_enc), lambda i: (0, 0)),
            pl.BlockSpec((er, d_model), lambda i: (i, 0)),
        ],
        out_specs=[
            pl.BlockSpec((1, 1, rows_per_step, s_dec), lambda i: (0, 0, i, 0)),
            pl.BlockSpec((1, 1, 1, s_enc), lambda i: (0, 0, 0, 0)),
            pl.BlockSpec((er, d_model), lambda i: (i, 0)),
        ],
        out_shape=[
            jax.ShapeDtypeStruct((1, 1, s_dec, s_dec), jnp.float32),
            jax.ShapeDtypeStruct((1, 1, 1, s_enc), jnp.float32),
            jax.ShapeDtypeStruct((n_ehs, d_model), jnp.float32),
        ],
    )(dec_mask, enc_mask, ehs_flat)


@functools.lru_cache(maxsize=None)
def _make_sc_gather(n_tok, d_model, n_posb):
    info = plsc.get_sparse_core_info()
    nc, ns = info.num_cores, info.num_subcores
    nw = nc * ns
    bpw = n_tok // nw
    gh = bpw // 2
    zpw = n_posb // nw
    L = 16
    mesh = plsc.VectorSubcoreMesh(core_axis_name="c", subcore_axis_name="s")

    @functools.partial(
        pl.kernel,
        mesh=mesh,
        out_type=(
            jax.ShapeDtypeStruct((n_tok, d_model), jnp.float32),
            jax.ShapeDtypeStruct((n_posb,), jnp.float32),
        ),
        scratch_types=[
            pltpu.VMEM((bpw,), jnp.int32),
            pltpu.VMEM((2, gh, d_model), jnp.float32),
            pltpu.VMEM((zpw,), jnp.float32),
            pltpu.SemaphoreType.DMA((2,)),
            pltpu.SemaphoreType.DMA((2,)),
            pltpu.SemaphoreType.DMA,
        ],
    )
    def gather_k(table_hbm, idx_hbm, hid_out, posb_out,
                 idx_v, rows_v, zbuf, sem_g, sem_go, sem_z):
        wid = lax.axis_index("s") * nc + lax.axis_index("c")
        base = wid * bpw
        pltpu.sync_copy(idx_hbm.at[pl.ds(base, bpw)], idx_v)
        g0 = pltpu.async_copy(
            table_hbm.at[idx_v.at[pl.ds(0, gh)]], rows_v.at[0], sem_g.at[0])
        g1 = pltpu.async_copy(
            table_hbm.at[idx_v.at[pl.ds(gh, gh)]], rows_v.at[1], sem_g.at[1])

        zero = jnp.zeros((L,), dtype=jnp.float32)

        def zfill(c, _):
            zbuf[pl.ds(c * L, L)] = zero
            return 0

        lax.fori_loop(0, zpw // L, zfill, 0)
        zo = pltpu.async_copy(
            zbuf, posb_out.at[pl.ds(wid * zpw, zpw)], sem_z)

        g0.wait()
        go0 = pltpu.async_copy(
            rows_v.at[0], hid_out.at[pl.ds(base, gh)], sem_go.at[0])
        g1.wait()
        go1 = pltpu.async_copy(
            rows_v.at[1], hid_out.at[pl.ds(base + gh, gh)], sem_go.at[1])
        go0.wait()
        go1.wait()
        zo.wait()

    return gather_k


def kernel(encoder_hidden_states, encoder_position_bias, decoder_input_ids,
           decoder_attention_mask, encoder_attention_mask, embedding_weight):
    b, s_dec = decoder_input_ids.shape
    vocab, d_model = embedding_weight.shape
    _, s_enc, _ = encoder_hidden_states.shape
    ids_flat = decoder_input_ids.reshape(-1)
    ehs_flat = encoder_hidden_states.reshape(b * s_enc, d_model)
    n_posb = b * NUM_HEADS * s_dec

    gather_k = _make_sc_gather(b * s_dec, d_model, n_posb)
    hid, posb = gather_k(embedding_weight, ids_flat)
    decoder_hidden_states = hid.reshape(b, s_dec, d_model)

    dec_ext, enc_ext, ehs_out = _make_masks(
        decoder_attention_mask, encoder_attention_mask, ehs_flat)
    ehs_out = ehs_out.reshape(encoder_hidden_states.shape)

    decoder_position_bias = posb.reshape(b, NUM_HEADS, s_dec, 1)

    return (ehs_out, encoder_position_bias, decoder_hidden_states,
            enc_ext, dec_ext, decoder_position_bias)

# --- scband reference (transcript-rebuilt; emitter-appended) ---
"""Pipeline reference for scband-decoder-token-embeddings-87101936763323 (READ-ONLY COPY).

The authoritative reference and input builder live on the scoring server;
editing this copy changes nothing except your own understanding.
"""

import jax, jax.numpy as jnp
import numpy as np

VOCAB = 32128
D_MODEL = 1024
NUM_HEADS = 16
B = 1
S_ENC = 2048
S_DEC = 2048


def invert_attention_mask(encoder_attention_mask):
    ext = encoder_attention_mask[:, None, None, :].astype(jnp.float32)
    return (1.0 - ext) * jnp.finfo(jnp.float32).min


def get_extended_attention_mask(attention_mask, input_shape):
    batch_size, seq_length = input_shape
    seq_ids = jnp.arange(seq_length)
    causal_mask = (seq_ids[None, None, :] <= seq_ids[None, :, None]).astype(jnp.float32)
    causal_mask = jnp.broadcast_to(causal_mask, (batch_size, seq_length, seq_length))
    ext = causal_mask[:, None, :, :] * attention_mask[:, None, None, :].astype(jnp.float32)
    return (1.0 - ext) * jnp.finfo(jnp.float32).min


def setup_inputs(seed: int = 0) -> dict:
    key = jax.random.key(seed)
    k1, k2, k3, k4 = jax.random.split(key, 4)
    encoder_hidden_states = jax.random.normal(k1, (B, S_ENC, D_MODEL), dtype=jnp.float32)
    encoder_position_bias = jax.random.normal(k2, (B, NUM_HEADS, S_ENC, S_ENC), dtype=jnp.float32)
    decoder_input_ids = jax.random.randint(k3, (B, S_DEC), 0, VOCAB).astype(jnp.int32)
    decoder_attention_mask = jnp.ones((B, S_DEC), dtype=jnp.float32)
    encoder_attention_mask = jnp.ones((B, S_ENC), dtype=jnp.float32)
    embedding_weight = jax.random.normal(k4, (VOCAB, D_MODEL), dtype=jnp.float32)
    return {
        "encoder_hidden_states": encoder_hidden_states,
        "encoder_position_bias": encoder_position_bias,
        "decoder_input_ids": decoder_input_ids,
        "decoder_attention_mask": decoder_attention_mask,
        "encoder_attention_mask": encoder_attention_mask,
        "embedding_weight": embedding_weight,
    }


def reference(encoder_hidden_states, encoder_position_bias, decoder_input_ids, decoder_attention_mask, encoder_attention_mask, embedding_weight):
    input_shape = decoder_input_ids.shape
    decoder_input_ids = decoder_input_ids.reshape(-1, input_shape[-1])
    encoder_extended_attention_mask = invert_attention_mask(encoder_attention_mask)
    decoder_extended_attention_mask = get_extended_attention_mask(decoder_attention_mask, decoder_input_ids.shape)
    decoder_hidden_states = jnp.take(embedding_weight, decoder_input_ids, axis=0)
    # dropout in eval mode -> identity
    batch_size, seq_length = decoder_input_ids.shape
    decoder_position_bias = jnp.zeros((batch_size, NUM_HEADS, seq_length, 1), dtype=jnp.float32)
    return (encoder_hidden_states, encoder_position_bias, decoder_hidden_states, encoder_extended_attention_mask, decoder_extended_attention_mask, decoder_position_bias)

if __name__ == "__main__":
    import jax
    _d = setup_inputs()
    print(jax.jit(kernel)(*tuple(_d.values())))

</pallas_src>

<mosaic_0001>
#map = affine_map<(d0, d1) -> (0, 0)>
#map1 = affine_map<(d0, d1) -> (0)>
module attributes {stable_mosaic.version = 14 : i64} {
  func.func @gather_k(%arg0: i32, %arg1: i32, %arg2: memref<32128x1024xf32, #tpu.memory_space<hbm>>, %arg3: memref<2048xi32, #tpu.memory_space<hbm>>, %arg4: memref<2048x1024xf32, #tpu.memory_space<hbm>>, %arg5: memref<32768xf32, #tpu.memory_space<hbm>>, %arg6: memref<64xi32, #tpu.memory_space<vmem>>, %arg7: memref<2x32x1024xf32, #tpu.memory_space<vmem>>, %arg8: memref<1024xf32, #tpu.memory_space<vmem>>, %arg9: memref<2x!tpu.dma_semaphore, #tpu.memory_space<semaphore_mem>>, %arg10: memref<2x!tpu.dma_semaphore, #tpu.memory_space<semaphore_mem>>, %arg11: memref<!tpu.dma_semaphore, #tpu.memory_space<semaphore_mem>>) attributes {dimension_semantics = [#tpu.dimension_semantics<core_parallel>, #tpu.dimension_semantics<subcore_parallel>], iteration_bounds = array<i64: 2, 16>, scalar_prefetch = 0 : i64, scratch_operands = 6 : i64, tpu.core_type = #tpu.core_type<sc_vector_subcore>, window_params = [{transform_indices = #map}, {transform_indices = #map1}, {transform_indices = #map}, {transform_indices = #map1}]} {
    %mul3A = arith.constant 2 : i32
    %mul3A_0 = arith.muli %arg1, %mul3A : i32
    %add3A = arith.addi %mul3A_0, %arg0 : i32
    %mul3A_1 = arith.constant 64 : i32
    %mul3A_2 = arith.muli %add3A, %mul3A_1 : i32
    "tpu.region"() ({
      %run_scoped3A = tpu.sem_alloc : memref<!tpu.dma_semaphore, #tpu.memory_space<semaphore_mem>>
      %dma_start3A_132 = tpu.memref_slice %arg3[%mul3A_2] : memref<2048xi32, #tpu.memory_space<hbm>> -> memref<64xi32, #tpu.memory_space<hbm>>
      %dma_start3A_133 = tpu.memref_slice %arg3[%mul3A_2] : memref<2048xi32, #tpu.memory_space<hbm>> -> memref<64xi32, #tpu.memory_space<hbm>>
      tpu.enqueue_dma source(%dma_start3A_133 : memref<64xi32, #tpu.memory_space<hbm>>) target(%arg6 : memref<64xi32, #tpu.memory_space<vmem>>) target_semaphore(%run_scoped3A : memref<!tpu.dma_semaphore, #tpu.memory_space<semaphore_mem>>)
      %dma_wait3A_134 = tpu.memref_slice %arg3[%mul3A_2] : memref<2048xi32, #tpu.memory_space<hbm>> -> memref<64xi32, #tpu.memory_space<hbm>>
      %dma_wait3A_135 = tpu.memref_slice %arg3[%mul3A_2] : memref<2048xi32, #tpu.memory_space<hbm>> -> memref<64xi32, #tpu.memory_space<hbm>>
      tpu.wait_dma2 semaphore(%run_scoped3A : memref<!tpu.dma_semaphore, #tpu.memory_space<semaphore_mem>>) src(%dma_wait3A_135 : memref<64xi32, #tpu.memory_space<hbm>>) dst(%arg6 : memref<64xi32, #tpu.memory_space<vmem>>)
      tpu.yield
    }) : () -> ()
    %dma_start3A = arith.constant 0 : i32
    %dma_start3A_3 = arith.constant 0 : i32
    %dma_start3A_4 = arith.constant 0 : i32
    %dma_start3A_5 = arith.constant 0 : i32
    %dma_start3A_6 = tpu.memref_slice %arg7[%dma_start3A, %dma_start3A_4, %dma_start3A_5] : memref<2x32x1024xf32, #tpu.memory_space<vmem>> -> memref<1x32x1024xf32, #tpu.memory_space<vmem>>
    %dma_start3A_7 = tpu.memref_squeeze %dma_start3A_6 : memref<1x32x1024xf32, #tpu.memory_space<vmem>> -> memref<32x1024xf32, #tpu.memory_space<vmem>>
    %dma_start3A_8 = arith.constant 0 : i32
    %dma_start3A_9 = tpu.memref_slice %arg6[%dma_start3A_8] : memref<64xi32, #tpu.memory_space<vmem>> -> memref<32xi32, #tpu.memory_space<vmem>>
    %dma_start3A_10 = arith.constant 0 : i32
    %dma_start3A_11 = arith.constant 0 : i32
    %dma_start3A_12 = tpu.memref_slice %arg2[%dma_start3A_10, %dma_start3A_11] : memref<32128x1024xf32, #tpu.memory_space<hbm>> -> memref<32128x1024xf32, #tpu.memory_space<hbm>>
    %dma_start3A_13 = tpu.memref_slice %arg9[%dma_start3A_3] : memref<2x!tpu.dma_semaphore, #tpu.memory_space<semaphore_mem>> -> memref<1x!tpu.dma_semaphore, #tpu.memory_space<semaphore_mem>>
    %dma_start3A_14 = tpu.memref_squeeze %dma_start3A_13 : memref<1x!tpu.dma_semaphore, #tpu.memory_space<semaphore_mem>> -> memref<!tpu.dma_semaphore, #tpu.memory_space<semaphore_mem>>
    tpu.enqueue_indirect_dma source(%dma_start3A_12 : memref<32128x1024xf32, #tpu.memory_space<hbm>>) target(%dma_start3A_7 : memref<32x1024xf32, #tpu.memory_space<vmem>>) offsets(%dma_start3A_9 : memref<32xi32, #tpu.memory_space<vmem>>) semaphore(%dma_start3A_14 : memref<!tpu.dma_semaphore, #tpu.memory_space<semaphore_mem>>)
    %dma_start3A_15 = arith.constant 1 : i32
    %dma_start3A_16 = arith.constant 1 : i32
    %dma_start3A_17 = arith.constant 0 : i32
    %dma_start3A_18 = arith.constant 0 : i32
    %dma_start3A_19 = tpu.memref_slice %arg7[%dma_start3A_15, %dma_start3A_17, %dma_start3A_18] : memref<2x32x1024xf32, #tpu.memory_space<vmem>> -> memref<1x32x1024xf32, #tpu.memory_space<vmem>>
    %dma_start3A_20 = tpu.memref_squeeze %dma_start3A_19 : memref<1x32x1024xf32, #tpu.memory_space<vmem>> -> memref<32x1024xf32, #tpu.memory_space<vmem>>
    %dma_start3A_21 = arith.constant 32 : i32
    %dma_start3A_22 = tpu.memref_slice %arg6[%dma_start3A_21] : memref<64xi32, #tpu.memory_space<vmem>> -> memref<32xi32, #tpu.memory_space<vmem>>
    %dma_start3A_23 = arith.constant 0 : i32
    %dma_start3A_24 = arith.constant 0 : i32
    %dma_start3A_25 = tpu.memref_slice %arg2[%dma_start3A_23, %dma_start3A_24] : memref<32128x1024xf32, #tpu.memory_space<hbm>> -> memref<32128x1024xf32, #tpu.memory_space<hbm>>
    %dma_start3A_26 = tpu.memref_slice %arg9[%dma_start3A_16] : memref<2x!tpu.dma_semaphore, #tpu.memory_space<semaphore_mem>> -> memref<1x!tpu.dma_semaphore, #tpu.memory_space<semaphore_mem>>
    %dma_start3A_27 = tpu.memref_squeeze %dma_start3A_26 : memref<1x!tpu.dma_semaphore, #tpu.memory_space<semaphore_mem>> -> memref<!tpu.dma_semaphore, #tpu.memory_space<semaphore_mem>>
    tpu.enqueue_indirect_dma source(%dma_start3A_25 : memref<32128x1024xf32, #tpu.memory_space<hbm>>) target(%dma_start3A_20 : memref<32x1024xf32, #tpu.memory_space<vmem>>) offsets(%dma_start3A_22 : memref<32xi32, #tpu.memory_space<vmem>>) semaphore(%dma_start3A_27 : memref<!tpu.dma_semaphore, #tpu.memory_space<semaphore_mem>>)
    %broadcast_in_dim3A = arith.constant 0.000000e+00 : f32
    %broadcast_in_dim3A_28 = vector.broadcast %broadcast_in_dim3A : f32 to vector<16xf32>
    %scan3A = arith.constant 0 : i32
    %scan3A_29 = arith.constant 0 : i32
    %scan3A_30 = arith.constant 64 : i32
    %scan3A_31 = arith.addi %scan3A_29, %scan3A_30 : i32
    %scan3A_32 = arith.constant 1 : i32
    %scan3A_33 = scf.for %scan3A_132 = %scan3A_29 to %scan3A_31 step %scan3A_32 iter_args(%scan3A_133 = %scan3A) -> (i32)  : i32 {
      %mul3A_134 = arith.constant 16 : i32
      %mul3A_135 = arith.muli %scan3A_132, %mul3A_134 : i32
      %swap3A = arith.index_cast %mul3A_135 : i32 to index
      %swap3A_136 = tpu.vector_load %arg8[%swap3A] {strides = array<i32>} : memref<1024xf32, #tpu.memory_space<vmem>>, vector<16xf32>,
      %swap3A_137 = vector.shape_cast %swap3A_136 : vector<16xf32> to vector<16xf32>
      %swap3A_138 = vector.shape_cast %broadcast_in_dim3A_28 : vector<16xf32> to vector<16xf32>
      tpu.vector_store %arg8[%swap3A], %swap3A_138 {strides = array<i32>} : memref<1024xf32, #tpu.memory_space<vmem>>, vector<16xf32>,
      %scan3A_139 = arith.constant 0 : i32
      scf.yield %scan3A_139 : i32
    }
    %scan3A_34 = arith.constant 64 : i32
    %mul3A_35 = arith.constant 1024 : i32
    %mul3A_36 = arith.muli %add3A, %mul3A_35 : i32
    %dma_start3A_37 = tpu.memref_slice %arg5[%mul3A_36] : memref<32768xf32, #tpu.memory_space<hbm>> -> memref<1024xf32, #tpu.memory_space<hbm>>
    %dma_start3A_38 = tpu.memref_slice %arg5[%mul3A_36] : memref<32768xf32, #tpu.memory_space<hbm>> -> memref<1024xf32, #tpu.memory_space<hbm>>
    tpu.enqueue_dma source(%arg8 : memref<1024xf32, #tpu.memory_space<vmem>>) target(%dma_start3A_38 : memref<1024xf32, #tpu.memory_space<hbm>>) target_semaphore(%arg11 : memref<!tpu.dma_semaphore, #tpu.memory_space<semaphore_mem>>)
    %dma_wait3A = arith.constant 0 : i32
    %dma_wait3A_39 = arith.constant 0 : i32
    %dma_wait3A_40 = arith.constant 0 : i32
    %dma_wait3A_41 = arith.constant 0 : i32
    %dma_wait3A_42 = tpu.memref_slice %arg7[%dma_wait3A, %dma_wait3A_40, %dma_wait3A_41] : memref<2x32x1024xf32, #tpu.memory_space<vmem>> -> memref<1x32x1024xf32, #tpu.memory_space<vmem>>
    %dma_wait3A_43 = tpu.memref_squeeze %dma_wait3A_42 : memref<1x32x1024xf32, #tpu.memory_space<vmem>> -> memref<32x1024xf32, #tpu.memory_space<vmem>>
    %dma_wait3A_44 = arith.constant 0 : i32
    %dma_wait3A_45 = tpu.memref_slice %arg6[%dma_wait3A_44] : memref<64xi32, #tpu.memory_space<vmem>> -> memref<32xi32, #tpu.memory_space<vmem>>
    %dma_wait3A_46 = arith.constant 0 : i32
    %dma_wait3A_47 = arith.constant 0 : i32
    %dma_wait3A_48 = tpu.memref_slice %arg2[%dma_wait3A_46, %dma_wait3A_47] : memref<32128x1024xf32, #tpu.memory_space<hbm>> -> memref<32128x1024xf32, #tpu.memory_space<hbm>>
    %dma_wait3A_49 = tpu.memref_slice %arg9[%dma_wait3A_39] : memref<2x!tpu.dma_semaphore, #tpu.memory_space<semaphore_mem>> -> memref<1x!tpu.dma_semaphore, #tpu.memory_space<semaphore_mem>>
    %dma_wait3A_50 = tpu.memref_squeeze %dma_wait3A_49 : memref<1x!tpu.dma_semaphore, #tpu.memory_space<semaphore_mem>> -> memref<!tpu.dma_semaphore, #tpu.memory_space<semaphore_mem>>
    tpu.wait_indirect_dma semaphore(%dma_wait3A_50 : memref<!tpu.dma_semaphore, #tpu.memory_space<semaphore_mem>>) src(%dma_wait3A_48 : memref<32128x1024xf32, #tpu.memory_space<hbm>>) dst(%dma_wait3A_43 : memref<32x1024xf32, #tpu.memory_space<vmem>>)
    %dma_start3A_51 = arith.constant 0 : i32
    %dma_start3A_52 = arith.constant 0 : i32
    %dma_start3A_53 = arith.constant 0 : i32
    %dma_start3A_54 = arith.constant 0 : i32
    %dma_start3A_55 = tpu.memref_slice %arg7[%dma_start3A_51, %dma_start3A_53, %dma_start3A_54] : memref<2x32x1024xf32, #tpu.memory_space<vmem>> -> memref<1x32x1024xf32, #tpu.memory_space<vmem>>
    %dma_start3A_56 = tpu.memref_squeeze %dma_start3A_55 : memref<1x32x1024xf32, #tpu.memory_space<vmem>> -> memref<32x1024xf32, #tpu.memory_space<vmem>>
    %dma_start3A_57 = arith.constant 0 : i32
    %dma_start3A_58 = tpu.memref_slice %arg4[%mul3A_2, %dma_start3A_57] : memref<2048x1024xf32, #tpu.memory_space<hbm>> -> memref<32x1024xf32, #tpu.memory_space<hbm>>
    %dma_start3A_59 = tpu.memref_slice %arg10[%dma_start3A_52] : memref<2x!tpu.dma_semaphore, #tpu.memory_space<semaphore_mem>> -> memref<1x!tpu.dma_semaphore, #tpu.memory_space<semaphore_mem>>
    %dma_start3A_60 = tpu.memref_squeeze %dma_start3A_59 : memref<1x!tpu.dma_semaphore, #tpu.memory_space<semaphore_mem>> -> memref<!tpu.dma_semaphore, #tpu.memory_space<semaphore_mem>>
    %dma_start3A_61 = arith.constant 0 : i32
    %dma_start3A_62 = tpu.memref_slice %arg4[%mul3A_2, %dma_start3A_61] : memref<2048x1024xf32, #tpu.memory_space<hbm>> -> memref<32x1024xf32, #tpu.memory_space<hbm>>
    %dma_start3A_63 = arith.constant 0 : i32
    %dma_start3A_64 = arith.constant 0 : i32
    %dma_start3A_65 = tpu.memref_slice %arg7[%dma_start3A_51, %dma_start3A_63, %dma_start3A_64] : memref<2x32x1024xf32, #tpu.memory_space<vmem>> -> memref<1x32x1024xf32, #tpu.memory_space<vmem>>
    %dma_start3A_66 = tpu.memref_squeeze %dma_start3A_65 : memref<1x32x1024xf32, #tpu.memory_space<vmem>> -> memref<32x1024xf32, #tpu.memory_space<vmem>>
    tpu.enqueue_dma source(%dma_start3A_66 : memref<32x1024xf32, #tpu.memory_space<vmem>>) target(%dma_start3A_62 : memref<32x1024xf32, #tpu.memory_space<hbm>>) target_semaphore(%dma_start3A_60 : memref<!tpu.dma_semaphore, #tpu.memory_space<semaphore_mem>>)
    %dma_wait3A_67 = arith.constant 1 : i32
    %dma_wait3A_68 = arith.constant 1 : i32
    %dma_wait3A_69 = arith.constant 0 : i32
    %dma_wait3A_70 = arith.constant 0 : i32
    %dma_wait3A_71 = tpu.memref_slice %arg7[%dma_wait3A_67, %dma_wait3A_69, %dma_wait3A_70] : memref<2x32x1024xf32, #tpu.memory_space<vmem>> -> memref<1x32x1024xf32, #tpu.memory_space<vmem>>
    %dma_wait3A_72 = tpu.memref_squeeze %dma_wait3A_71 : memref<1x32x1024xf32, #tpu.memory_space<vmem>> -> memref<32x1024xf32, #tpu.memory_space<vmem>>
    %dma_wait3A_73 = arith.constant 32 : i32
    %dma_wait3A_74 = tpu.memref_slice %arg6[%dma_wait3A_73] : memref<64xi32, #tpu.memory_space<vmem>> -> memref<32xi32, #tpu.memory_space<vmem>>
    %dma_wait3A_75 = arith.constant 0 : i32
    %dma_wait3A_76 = arith.constant 0 : i32
    %dma_wait3A_77 = tpu.memref_slice %arg2[%dma_wait3A_75, %dma_wait3A_76] : memref<32128x1024xf32, #tpu.memory_space<hbm>> -> memref<32128x1024xf32, #tpu.memory_space<hbm>>
    %dma_wait3A_78 = tpu.memref_slice %arg9[%dma_wait3A_68] : memref<2x!tpu.dma_semaphore, #tpu.memory_space<semaphore_mem>> -> memref<1x!tpu.dma_semaphore, #tpu.memory_space<semaphore_mem>>
    %dma_wait3A_79 = tpu.memref_squeeze %dma_wait3A_78 : memref<1x!tpu.dma_semaphore, #tpu.memory_space<semaphore_mem>> -> memref<!tpu.dma_semaphore, #tpu.memory_space<semaphore_mem>>
    tpu.wait_indirect_dma semaphore(%dma_wait3A_79 : memref<!tpu.dma_semaphore, #tpu.memory_space<semaphore_mem>>) src(%dma_wait3A_77 : memref<32128x1024xf32, #tpu.memory_space<hbm>>) dst(%dma_wait3A_72 : memref<32x1024xf32, #tpu.memory_space<vmem>>)
    %add3A_80 = arith.constant 32 : i32
    %add3A_81 = arith.addi %mul3A_2, %add3A_80 : i32
    %dma_start3A_82 = arith.constant 1 : i32
    %dma_start3A_83 = arith.constant 1 : i32
    %dma_start3A_84 = arith.constant 0 : i32
    %dma_start3A_85 = arith.constant 0 : i32
    %dma_start3A_86 = tpu.memref_slice %arg7[%dma_start3A_82, %dma_start3A_84, %dma_start3A_85] : memref<2x32x1024xf32, #tpu.memory_space<vmem>> -> memref<1x32x1024xf32, #tpu.memory_space<vmem>>
    %dma_start3A_87 = tpu.memref_squeeze %dma_start3A_86 : memref<1x32x1024xf32, #tpu.memory_space<vmem>> -> memref<32x1024xf32, #tpu.memory_space<vmem>>
    %dma_start3A_88 = arith.constant 0 : i32
    %dma_start3A_89 = tpu.memref_slice %arg4[%add3A_81, %dma_start3A_88] : memref<2048x1024xf32, #tpu.memory_space<hbm>> -> memref<32x1024xf32, #tpu.memory_space<hbm>>
    %dma_start3A_90 = tpu.memref_slice %arg10[%dma_start3A_83] : memref<2x!tpu.dma_semaphore, #tpu.memory_space<semaphore_mem>> -> memref<1x!tpu.dma_semaphore, #tpu.memory_space<semaphore_mem>>
    %dma_start3A_91 = tpu.memref_squeeze %dma_start3A_90 : memref<1x!tpu.dma_semaphore, #tpu.memory_space<semaphore_mem>> -> memref<!tpu.dma_semaphore, #tpu.memory_space<semaphore_mem>>
    %dma_start3A_92 = arith.constant 0 : i32
    %dma_start3A_93 = tpu.memref_slice %arg4[%add3A_81, %dma_start3A_92] : memref<2048x1024xf32, #tpu.memory_space<hbm>> -> memref<32x1024xf32, #tpu.memory_space<hbm>>
    %dma_start3A_94 = arith.constant 0 : i32
    %dma_start3A_95 = arith.constant 0 : i32
    %dma_start3A_96 = tpu.memref_slice %arg7[%dma_start3A_82, %dma_start3A_94, %dma_start3A_95] : memref<2x32x1024xf32, #tpu.memory_space<vmem>> -> memref<1x32x1024xf32, #tpu.memory_space<vmem>>
    %dma_start3A_97 = tpu.memref_squeeze %dma_start3A_96 : memref<1x32x1024xf32, #tpu.memory_space<vmem>> -> memref<32x1024xf32, #tpu.memory_space<vmem>>
    tpu.enqueue_dma source(%dma_start3A_97 : memref<32x1024xf32, #tpu.memory_space<vmem>>) target(%dma_start3A_93 : memref<32x1024xf32, #tpu.memory_space<hbm>>) target_semaphore(%dma_start3A_91 : memref<!tpu.dma_semaphore, #tpu.memory_space<semaphore_mem>>)
    %dma_wait3A_98 = arith.constant 0 : i32
    %dma_wait3A_99 = arith.constant 0 : i32
    %dma_wait3A_100 = arith.constant 0 : i32
    %dma_wait3A_101 = arith.constant 0 : i32
    %dma_wait3A_102 = tpu.memref_slice %arg7[%dma_wait3A_98, %dma_wait3A_100, %dma_wait3A_101] : memref<2x32x1024xf32, #tpu.memory_space<vmem>> -> memref<1x32x1024xf32, #tpu.memory_space<vmem>>
    %dma_wait3A_103 = tpu.memref_squeeze %dma_wait3A_102 : memref<1x32x1024xf32, #tpu.memory_space<vmem>> -> memref<32x1024xf32, #tpu.memory_space<vmem>>
    %dma_wait3A_104 = arith.constant 0 : i32
    %dma_wait3A_105 = tpu.memref_slice %arg4[%mul3A_2, %dma_wait3A_104] : memref<2048x1024xf32, #tpu.memory_space<hbm>> -> memref<32x1024xf32, #tpu.memory_space<hbm>>
    %dma_wait3A_106 = tpu.memref_slice %arg10[%dma_wait3A_99] : memref<2x!tpu.dma_semaphore, #tpu.memory_space<semaphore_mem>> -> memref<1x!tpu.dma_semaphore, #tpu.memory_space<semaphore_mem>>
    %dma_wait3A_107 = tpu.memref_squeeze %dma_wait3A_106 : memref<1x!tpu.dma_semaphore, #tpu.memory_space<semaphore_mem>> -> memref<!tpu.dma_semaphore, #tpu.memory_space<semaphore_mem>>
    %dma_wait3A_108 = arith.constant 0 : i32
    %dma_wait3A_109 = tpu.memref_slice %arg4[%mul3A_2, %dma_wait3A_108] : memref<2048x1024xf32, #tpu.memory_space<hbm>> -> memref<32x1024xf32, #tpu.memory_space<hbm>>
    %dma_wait3A_110 = arith.constant 0 : i32
    %dma_wait3A_111 = arith.constant 0 : i32
    %dma_wait3A_112 = tpu.memref_slice %arg7[%dma_wait3A_98, %dma_wait3A_110, %dma_wait3A_111] : memref<2x32x1024xf32, #tpu.memory_space<vmem>> -> memref<1x32x1024xf32, #tpu.memory_space<vmem>>
    %dma_wait3A_113 = tpu.memref_squeeze %dma_wait3A_112 : memref<1x32x1024xf32, #tpu.memory_space<vmem>> -> memref<32x1024xf32, #tpu.memory_space<vmem>>
    tpu.wait_dma2 semaphore(%dma_wait3A_107 : memref<!tpu.dma_semaphore, #tpu.memory_space<semaphore_mem>>) src(%dma_wait3A_113 : memref<32x1024xf32, #tpu.memory_space<vmem>>) dst(%dma_wait3A_109 : memref<32x1024xf32, #tpu.memory_space<hbm>>)
    %dma_wait3A_114 = arith.constant 1 : i32
    %dma_wait3A_115 = arith.constant 1 : i32
    %dma_wait3A_116 = arith.constant 0 : i32
    %dma_wait3A_117 = arith.constant 0 : i32
    %dma_wait3A_118 = tpu.memref_slice %arg7[%dma_wait3A_114, %dma_wait3A_116, %dma_wait3A_117] : memref<2x32x1024xf32, #tpu.memory_space<vmem>> -> memref<1x32x1024xf32, #tpu.memory_space<vmem>>
    %dma_wait3A_119 = tpu.memref_squeeze %dma_wait3A_118 : memref<1x32x1024xf32, #tpu.memory_space<vmem>> -> memref<32x1024xf32, #tpu.memory_space<vmem>>
    %dma_wait3A_120 = arith.constant 0 : i32
    %dma_wait3A_121 = tpu.memref_slice %arg4[%add3A_81, %dma_wait3A_120] : memref<2048x1024xf32, #tpu.memory_space<hbm>> -> memref<32x1024xf32, #tpu.memory_space<hbm>>
    %dma_wait3A_122 = tpu.memref_slice %arg10[%dma_wait3A_115] : memref<2x!tpu.dma_semaphore, #tpu.memory_space<semaphore_mem>> -> memref<1x!tpu.dma_semaphore, #tpu.memory_space<semaphore_mem>>
    %dma_wait3A_123 = tpu.memref_squeeze %dma_wait3A_122 : memref<1x!tpu.dma_semaphore, #tpu.memory_space<semaphore_mem>> -> memref<!tpu.dma_semaphore, #tpu.memory_space<semaphore_mem>>
    %dma_wait3A_124 = arith.constant 0 : i32
    %dma_wait3A_125 = tpu.memref_slice %arg4[%add3A_81, %dma_wait3A_124] : memref<2048x1024xf32, #tpu.memory_space<hbm>> -> memref<32x1024xf32, #tpu.memory_space<hbm>>
    %dma_wait3A_126 = arith.constant 0 : i32
    %dma_wait3A_127 = arith.constant 0 : i32
    %dma_wait3A_128 = tpu.memref_slice %arg7[%dma_wait3A_114, %dma_wait3A_126, %dma_wait3A_127] : memref<2x32x1024xf32, #tpu.memory_space<vmem>> -> memref<1x32x1024xf32, #tpu.memory_space<vmem>>
    %dma_wait3A_129 = tpu.memref_squeeze %dma_wait3A_128 : memref<1x32x1024xf32, #tpu.memory_space<vmem>> -> memref<32x1024xf32, #tpu.memory_space<vmem>>
    tpu.wait_dma2 semaphore(%dma_wait3A_123 : memref<!tpu.dma_semaphore, #tpu.memory_space<semaphore_mem>>) src(%dma_wait3A_129 : memref<32x1024xf32, #tpu.memory_space<vmem>>) dst(%dma_wait3A_125 : memref<32x1024xf32, #tpu.memory_space<hbm>>)
    %dma_wait3A_130 = tpu.memref_slice %arg5[%mul3A_36] : memref<32768xf32, #tpu.memory_space<hbm>> -> memref<1024xf32, #tpu.memory_space<hbm>>
    %dma_wait3A_131 = tpu.memref_slice %arg5[%mul3A_36] : memref<32768xf32, #tpu.memory_space<hbm>> -> memref<1024xf32, #tpu.memory_space<hbm>>
    tpu.wait_dma2 semaphore(%arg11 : memref<!tpu.dma_semaphore, #tpu.memory_space<semaphore_mem>>) src(%arg8 : memref<1024xf32, #tpu.memory_space<vmem>>) dst(%dma_wait3A_131 : memref<1024xf32, #tpu.memory_space<hbm>>)
    return
  }
}

module attributes {stable_mosaic.version = 14 : i64} {
  func.func @_mask_body(%arg0: i32, %arg1: memref<1x2048xf32, #tpu.memory_space<vmem>>, %arg2: memref<1x2048xf32, #tpu.memory_space<vmem>>, %arg3: memref<512x1024xf32, #tpu.memory_space<vmem>>, %arg4: memref<1x1x512x2048xf32, #tpu.memory_space<vmem>>, %arg5: memref<1x1x1x2048xf32, #tpu.memory_space<vmem>>, %arg6: memref<512x1024xf32, #tpu.memory_space<vmem>>) attributes {dimension_semantics = [#tpu.dimension_semantics<arbitrary>], iteration_bounds = array<i64: 4>, scalar_prefetch = 0 : i64, scratch_operands = 0 : i64, tpu.core_type = #tpu.core_type<tc>, window_params = [{pipeline_mode = #tpu.pipeline_mode<synchronous>, transform_indices = @transform_0, window_bounds = array<i64: 1, 2048>}, {pipeline_mode = #tpu.pipeline_mode<synchronous>, transform_indices = @transform_1, window_bounds = array<i64: 1, 2048>}, {transform_indices = @transform_2, window_bounds = array<i64: 512, 1024>}, {transform_indices = @transform_3, window_bounds = array<i64: 1, 1, 512, 2048>}, {pipeline_mode = #tpu.pipeline_mode<synchronous>, transform_indices = @transform_4, window_bounds = array<i64: 1, 1, 1, 2048>}, {transform_indices = @transform_5, window_bounds = array<i64: 512, 1024>}]} {
    %mul3A = arith.constant 512 : i32
    %mul3A_0 = arith.muli %arg0, %mul3A : i32
    %iota3A = tpu.iota {dimensions = array<i32: 2>} : vector<1x1x512x2048xi32>
    %add3A = vector.broadcast %mul3A_0 : i32 to vector<1x1x512x2048xi32>
    %add3A_1 = arith.addi %add3A, %iota3A : vector<1x1x512x2048xi32>
    %iota3A_2 = tpu.iota {dimensions = array<i32: 3>} : vector<1x1x512x2048xi32>
    %get3A = arith.constant 0 : index
    %get3A_3 = arith.constant 0 : index
    %get3A_4 = vector.load %arg1[%get3A, %get3A_3] : memref<1x2048xf32, #tpu.memory_space<vmem>>, vector<1x2048xf32>
    %get3A_5 = vector.shape_cast %get3A_4 : vector<1x2048xf32> to vector<2048xf32>
    %broadcast_in_dim3A = vector.shape_cast %get3A_5 : vector<2048xf32> to vector<1x1x1x2048xf32>
    %sub3A = arith.constant 1.000000e+00 : f32
    %sub3A_6 = vector.broadcast %sub3A : f32 to vector<1x1x1x2048xf32>
    %sub3A_7 = arith.subf %sub3A_6, %broadcast_in_dim3A : vector<1x1x1x2048xf32>
    %mul3A_8 = arith.constant -3.40282347E+38 : f32
    %mul3A_9 = vector.broadcast %mul3A_8 : f32 to vector<1x1x1x2048xf32>
    %mul3A_10 = arith.mulf %sub3A_7, %mul3A_9 : vector<1x1x1x2048xf32>
    %le3A = arith.cmpi sle, %iota3A_2, %add3A_1 : vector<1x1x512x2048xi32>
    %jit3A = arith.constant -3.40282347E+38 : f32
    %broadcast_in_dim3A_11 = vector.shape_cast %mul3A_10 : vector<1x1x1x2048xf32> to vector<1x1x1x2048xf32>
    %broadcast_in_dim3A_12 = vector.broadcast %broadcast_in_dim3A_11 : vector<1x1x1x2048xf32> to vector<1x1x512x2048xf32>
    %broadcast_in_dim3A_13 = vector.broadcast %jit3A : f32 to vector<1x1x512x2048xf32>
    %select_n3A = arith.select %le3A, %broadcast_in_dim3A_12, %broadcast_in_dim3A_13 : vector<1x1x512x2048xi1>, vector<1x1x512x2048xf32>
    %swap3A = arith.constant 0 : index
    %swap3A_14 = arith.constant 0 : index
    %swap3A_15 = arith.constant 0 : index
    %swap3A_16 = arith.constant 0 : index
    %swap3A_17 = vector.load %arg4[%swap3A, %swap3A_14, %swap3A_15, %swap3A_16] : memref<1x1x512x2048xf32, #tpu.memory_space<vmem>>, vector<1x1x512x2048xf32>
    tpu.vector_store %arg4[%swap3A, %swap3A_14, %swap3A_15, %swap3A_16], %select_n3A {strides = array<i32>} : memref<1x1x512x2048xf32, #tpu.memory_space<vmem>>, vector<1x1x512x2048xf32>,
    %get3A_18 = arith.constant 0 : index
    %get3A_19 = arith.constant 0 : index
    %get3A_20 = vector.load %arg2[%get3A_18, %get3A_19] : memref<1x2048xf32, #tpu.memory_space<vmem>>, vector<1x2048xf32>
    %get3A_21 = vector.shape_cast %get3A_20 : vector<1x2048xf32> to vector<2048xf32>
    %broadcast_in_dim3A_22 = vector.shape_cast %get3A_21 : vector<2048xf32> to vector<1x1x1x2048xf32>
    %sub3A_23 = arith.constant 1.000000e+00 : f32
    %sub3A_24 = vector.broadcast %sub3A_23 : f32 to vector<1x1x1x2048xf32>
    %sub3A_25 = arith.subf %sub3A_24, %broadcast_in_dim3A_22 : vector<1x1x1x2048xf32>
    %mul3A_26 = arith.constant -3.40282347E+38 : f32
    %mul3A_27 = vector.broadcast %mul3A_26 : f32 to vector<1x1x1x2048xf32>
    %mul3A_28 = arith.mulf %sub3A_25, %mul3A_27 : vector<1x1x1x2048xf32>
    %swap3A_29 = arith.constant 0 : index
    %swap3A_30 = arith.constant 0 : index
    %swap3A_31 = arith.constant 0 : index
    %swap3A_32 = arith.constant 0 : index
    %swap3A_33 = vector.load %arg5[%swap3A_29, %swap3A_30, %swap3A_31, %swap3A_32] : memref<1x1x1x2048xf32, #tpu.memory_space<vmem>>, vector<1x1x1x2048xf32>
    tpu.vector_store %arg5[%swap3A_29, %swap3A_30, %swap3A_31, %swap3A_32], %mul3A_28 {strides = array<i32>} : memref<1x1x1x2048xf32, #tpu.memory_space<vmem>>, vector<1x1x1x2048xf32>,
    %get3A_34 = arith.constant 0 : index
    %get3A_35 = arith.constant 0 : index
    %get3A_36 = vector.load %arg3[%get3A_34, %get3A_35] : memref<512x1024xf32, #tpu.memory_space<vmem>>, vector<512x1024xf32>
    %swap3A_37 = arith.constant 0 : index
    %swap3A_38 = arith.constant 0 : index
    %swap3A_39 = vector.load %arg6[%swap3A_37, %swap3A_38] : memref<512x1024xf32, #tpu.memory_space<vmem>>, vector<512x1024xf32>
    tpu.vector_store %arg6[%swap3A_37, %swap3A_38], %get3A_36 {strides = array<i32>} : memref<512x1024xf32, #tpu.memory_space<vmem>>, vector<512x1024xf32>,
    return
  }
  func.func @transform_0(%arg0: i32) -> (i32, i32) {
    %c0_i32 = arith.constant 0 : i32
    %c0_i32_0 = arith.constant 0 : i32
    %c0_i32_1 = arith.constant 0 : i32
    return %c0_i32, %c0_i32_0 : i32, i32
  }
  func.func @transform_1(%arg0: i32) -> (i32, i32) {
    %c0_i32 = arith.constant 0 : i32
    %c0_i32_0 = arith.constant 0 : i32
    %c0_i32_1 = arith.constant 0 : i32
    return %c0_i32, %c0_i32_0 : i32, i32
  }
  func.func @transform_2(%arg0: i32) -> (i32, i32) {
    %c0_i32 = arith.constant 0 : i32
    %c0_i32_0 = arith.constant 0 : i32
    return %arg0, %c0_i32 : i32, i32
  }
  func.func @transform_3(%arg0: i32) -> (i32, i32, i32, i32) {
    %c0_i32 = arith.constant 0 : i32
    %c0_i32_0 = arith.constant 0 : i32
    %c0_i32_1 = arith.constant 0 : i32
    %c0_i32_2 = arith.constant 0 : i32
    return %c0_i32, %c0_i32_0, %arg0, %c0_i32_1 : i32, i32, i32, i32
  }
  func.func @transform_4(%arg0: i32) -> (i32, i32, i32, i32) {
    %c0_i32 = arith.constant 0 : i32
    %c0_i32_0 = arith.constant 0 : i32
    %c0_i32_1 = arith.constant 0 : i32
    %c0_i32_2 = arith.constant 0 : i32
    %c0_i32_3 = arith.constant 0 : i32
    return %c0_i32, %c0_i32_0, %c0_i32_1, %c0_i32_2 : i32, i32, i32, i32
  }
  func.func @transform_5(%arg0: i32) -> (i32, i32) {
    %c0_i32 = arith.constant 0 : i32
    %c0_i32_0 = arith.constant 0 : i32
    return %arg0, %c0_i32 : i32, i32
  }
}

</mosaic_0001>

<sc_bundles>
// kernel: kernel.4.cloned.1.call-start
scs
__scs_entry_jumppad:
0x0: {  	(pc) =	sbr.rel $0x88, $3  }
0x1: {  	(tag) =	ssettag $0x0;
	lr =	simm.s32 $0x1  }
0x2: {  	[smem:$0x3F9B] =	sst lr;
	_ =	strace $0xD0000000  }
0x3: {  	_ = 	snop  }
0x4: {  	_ = 	snop  }
0x5: {  	_ = 	snop  }
0x6: {  	_ = 	snop  }
0x7: {  	_ = 	snop  }
__scs_overlays_trampoline_lowered:
0x8: {  	[smem:$0x3FAA] =	sst s0  }
0x9: {  	[smem:$0x3FAB] =	sst s1  }
0xa: {  	[smem:$0x3FAC] =	sst s2  }
0xb: {  	[smem:$0x3FAD] =	sst s3  }
0xc: {  	[smem:$0x3FAE] =	sst s4  }
0xd: {  	[smem:$0x3FAF] =	sst s5  }
0xe: {  	[smem:$0x3FB0] =	sst s6  }
0xf: {  	[smem:$0x3FB1] =	sst s7  }
0x10: {  	[smem:$0x3FB2] =	sst s8  }
0x11: {  	[smem:$0x3FB3] =	sst s9;
	s0 =	simm.s32 @!p0 $0x0  }
0x12: {  	s1 =	sld [smem:$0x3F99];
	s0 =	simm.s32 @p0 $0x1  }
0x13: {  	[smem:$0x3FB4] =	sst s0;
	s0 =	simm.s32 @!p1 $0x0  }
0x14: {  	s2 =	sld [smem:$0x3F98];
	s0 =	simm.s32 @p1 $0x1  }
0x15: {  	[smem:$0x3FB5] =	sst s0;
	s0 =	simm.s32 @!p2 $0x0  }
0x16: {  	s3 =	sld [smem:$0x3FDB];
	s0 =	simm.s32 @p2 $0x1  }
0x17: {  	s4 =	simm.s32 $0x1BF5;
	[smem:$0x3FB7] =	sst s0  }
0x18: {  	s0 =	sld [smem:$0x3F9A];
	_ =	swait.ge [sflag:s4], $0x0  }
0x19: {  	s7 =	sld [smem:$0x3F9B]  }
0x1a: {  	s8 =	sadd.s32 $0xFFFFE003, lr  }
0x1b: {  	s9 =	sadd.s32 $0xFFFFFEF7, lr;
	s5 =	simm.s32 $0xFFFFFFFF;
	p2 =	slt.u32 s8, $0xFFFFF086  }
0x1c: {  	p1 =	slt.u32 s9, $0xF7A;
	s5 =	simm.s32 @!p2 $0x0  }
0x1d: {  	s5 =	simm.s32 @p1 $0x1;
	p0 =	seq.s32 s7, s2  }
0x1e: {  	s7 =	smul.u32 @!p0 $0xF7A, s2;
	p2 =	seq.s32 @!p0 s5, $0x0  }
0x1f: {  	s9 =	smul.u32 $0xF7A, s1;
	s8 =	simm.s32 @!p0 $0x1BF5;
	p2 =	por !p2, p0  }
0x20: {  	[sflag:s8] =	ssyncset.s32 @!p0 $0xFFFFF086;
	s6 =	sadd.s32 @!p0 s3, s7;
	s7 =	simm.s32 @!p0 $0x108  }
0x21: {  	s3 =	sadd.s32 s3, s9;
	s6 =	sadd.s32 @!p0 $0x88, s6;
	s7 =	simm.s32 @p2 $0x1082  }
0x22: {  	[simem:s7], [sflag:s8] =	dma.local @!p0 [hbm:s6], $0xF7A  }
0x23: {  	s9 =	sor.u32 $0xD0000000, s2;
	s6 =	simm.s32 $0x108;
	_ =	swait.ge @!p0 [sflag:s8], $0x0  }
0x24: {  	s3 =	sadd.s32 $0x88, s3;
	s6 =	simm.s32 @!p1 $0x1082;
	[sflag:s4] =	ssyncset.s32 $0xFFFFF086  }
0x25: {  	[simem:s6], [sflag:s4] =	dma.local [hbm:s3], $0xF7A  }
0x26: {  	[smem:$0x3F9B] =	sst s1;
	(tag) =	ssettag s2;
	_ =	strace s9  }
0x27: {  	s1 =	sld [smem:$0x3FAB]  }
0x28: {  	s2 =	sld [smem:$0x3FAC]  }
0x29: {  	s4 =	sld [smem:$0x3FAE]  }
0x2a: {  	p0 =	seq.s32 s5, $0x0;
	s5 =	sld [smem:$0x3FAF]  }
0x2b: {  	s6 =	sld [smem:$0x3FB0]  }
0x2c: {  	s7 =	sld [smem:$0x3FB1]  }
0x2d: {  	s3 =	simm.s32 $0x108;
	s8 =	sld [smem:$0x3FB2]  }
0x2e: {  	s3 =	simm.s32 @!p0 $0x1082;
	s9 =	sld [smem:$0x3FB3]  }
0x2f: {  	lr =	sadd.s32 s0, s3;
	s0 =	sld [smem:$0x3FAA]  }
0x30: {  	s3 =	sld [smem:$0x3FAD]  }
0x31: {  	[smem:$0x3FB6] =	sst s10  }
0x32: {  	s10 =	sld [smem:$0x3FB4];
	_ =	sdelay $0x3  }
0x33: {  	p0 =	seq.s32 s10, $0x1;
	s10 =	sld [smem:$0x3FB6];
	_ =	sdelay $0x3  }
0x34: {  	[smem:$0x3FB6] =	sst s10  }
0x35: {  	s10 =	sld [smem:$0x3FB5];
	_ =	sdelay $0x3  }
0x36: {  	p1 =	seq.s32 s10, $0x1;
	s10 =	sld [smem:$0x3FB6];
	_ =	sdelay $0x3  }
0x37: {  	[smem:$0x3FB6] =	sst s10  }
0x38: {  	s10 =	sld [smem:$0x3FB7]  }
0x39: {  	_ = 	snop;
	(pc) =	sbr.ind lr, $3  }
0x3a: {  	_ = 	snop  }
0x3b: {  	_ = 	snop  }
0x3c: {  	p2 =	seq.s32 s10, $0x1;
	s10 =	sld [smem:$0x3FB6]  }
0x3d: {  	_ =	shalt  }
0x3e: {  	_ =	shalt  }
0x3f: {  	_ =	shalt  }
0x40: {  	_ =	shalt  }
0x41: {  	_ =	shalt  }
0x42: {  	_ =	shalt  }
0x43: {  	_ =	shalt  }
0x44: {  	_ =	shalt  }
0x45: {  	_ =	shalt  }
0x46: {  	_ =	shalt  }
0x47: {  	_ =	shalt  }
0x48: {  	_ =	shalt  }
0x49: {  	_ =	shalt  }
0x4a: {  	_ =	shalt  }
0x4b: {  	_ =	shalt  }
0x4c: {  	_ =	shalt  }
0x4d: {  	_ =	shalt  }
0x4e: {  	_ =	shalt  }
0x4f: {  	_ =	shalt  }
0x50: {  	_ =	shalt  }
0x51: {  	_ =	shalt  }
0x52: {  	_ =	shalt  }
0x53: {  	_ =	shalt  }
0x54: {  	_ =	shalt  }
0x55: {  	_ =	shalt  }
0x56: {  	_ =	shalt  }
0x57: {  	_ =	shalt  }
0x58: {  	_ =	shalt  }
0x59: {  	_ =	shalt  }
0x5a: {  	_ =	shalt  }
0x5b: {  	_ =	shalt  }
0x5c: {  	_ =	shalt  }
0x5d: {  	_ =	shalt  }
0x5e: {  	_ =	shalt  }
0x5f: {  	_ =	shalt  }
0x60: {  	_ =	shalt  }
0x61: {  	_ =	shalt  }
0x62: {  	_ =	shalt  }
0x63: {  	_ =	shalt  }
0x64: {  	_ =	shalt  }
0x65: {  	_ =	shalt  }
0x66: {  	_ =	shalt  }
0x67: {  	_ =	shalt  }
0x68: {  	_ =	shalt  }
0x69: {  	_ =	shalt  }
0x6a: {  	_ =	shalt  }
0x6b: {  	_ =	shalt  }
0x6c: {  	_ =	shalt  }
0x6d: {  	_ =	shalt  }
0x6e: {  	_ =	shalt  }
0x6f: {  	_ =	shalt  }
0x70: {  	_ =	shalt  }
0x71: {  	_ =	shalt  }
0x72: {  	_ =	shalt  }
0x73: {  	_ =	shalt  }
0x74: {  	_ =	shalt  }
0x75: {  	_ =	shalt  }
0x76: {  	_ =	shalt  }
0x77: {  	_ =	shalt  }
0x78: {  	_ =	shalt  }
0x79: {  	_ =	shalt  }
0x7a: {  	_ =	shalt  }
0x7b: {  	_ =	shalt  }
0x7c: {  	_ =	shalt  }
0x7d: {  	_ =	shalt  }
0x7e: {  	_ =	shalt  }
0x7f: {  	_ =	shalt  }
0x80: {  	_ =	shalt  }
0x81: {  	_ =	shalt  }
0x82: {  	_ =	shalt  }
0x83: {  	_ =	shalt  }
0x84: {  	_ =	shalt  }
0x85: {  	_ =	shalt  }
0x86: {  	_ =	shalt  }
0x87: {  	_ =	shalt  }
.Lfunc_end0:
.L_simem_size_0:
called_computation_lowered:
.L_overlay_start_0:
0x88: {  	s2 =	sld [smem:$0x3FD9]  }
0x89: {  	s3 =	sld [smem:$0x3FFE];
	_ =	sdelay $0x1  }
0x8a: {  	s1 =	srdreg.scid  }
0x8b: {  	s0 =	sand.u32 $0x1, s1  }
0x8c: {  	s15 =	sshll.u32 s0, $0xA;
	s2 =	sadd.s32 s3, s2  }
0x8d: {  	s2 =	sadd.s32 s2, s15  }
0x8e: {  	[smem:$0x3FC2] =	sst s2  }
0x8f: {  	_ = 	snop  }
0x90: {  	s2 =	sld [smem:$0x3FD0];
	_ =	sdelay $0x1  }
0x91: {  	s16 =	sld [smem:$0x3FC7]  }
0x92: {  	s5 =	simm.s32 $0xA;
	s6 =	simm.s32 $0x10;
	s4 =	sld [smem:$0x3FC4]  }
0x93: {  	[smem:s6], [sflag:s5] =	dma.local [hbm:s2], $0x1  }
0x94: {  	_ =	swait.eq [sflag:s5], $0x1  }
0x95: {  	[sflag:s5] =	ssyncset.done $0x0  }
0x96: {  	s17 =	sld [smem:$0x12];
	[sflag:s5] =	ssyncadd.s32 $0xFFFFFFFF  }
0x97: {  	s18 =	sld [smem:$0x15];
	(tm) =	ssettm $0x1  }
0x98: {  	s19 =	sld [smem:$0x3FFB];
	_ =	sdelay $0x3  }
0x99: {  	_ =	strace s19  }
0x9a: {  	s6 =	sld [smem:$0x3FFC];
	_ =	sdelay $0x3  }
0x9b: {  	_ =	strace s6  }
0x9c: {  	s6 =	sld [smem:$0x3FFD];
	_ =	sdelay $0x3  }
0x9d: {  	_ =	strace s6  }
0x9e: {  	_ =	strace $0x8FFFFFFF  }
0x9f: {  	s20 =	sld [smem:$0x3FDB];
	_ =	sdelay $0x1  }
0xa0: {  	s7 =	simm.s32 $_scs_section_size  }
0xa1: {  	s8 =	simm.s32 $_size__tile_overlayer_lowered;
	s9 =	simm.s32 $_tile_overlayer_lowered  }
0xa2: {  	s23 =	simm.s32 $0x1BFF;
	s22 =	sshll.u32 s9, $0x1;
	s6 =	sadd.s32 s7, s20  }
0xa3: {  	s10 =	simm.s32 $0x0;
	s21 =	sshll.u32 s8, $0x1;
	s8 =	sadd.s32 s22, s6  }
0xa4: {  	[timem:s10], [sflag:s23] =	dma.local [hbm:s8], s21  }
0xa5: {  	_ =	swait.ge [sflag:s23], s21  }
0xa6: {  	s7 =	ssub.s32 $0x0, s21;
	[sflag:s23] =	ssyncset.done $0x0  }
0xa7: {  	[sflag:s23] =	ssyncadd.s32 s7;
	_ =	sdelay $0x1  }
0xa8: {  	s24 =	simm.s32 $0x1B8B  }
0xa9: {  	_ =	swait.ge [sflag:s24], $0x1  }
0xaa: {  	[sflag:s24] =	ssyncset.done $0x0  }
0xab: {  	s25 =	simm.s32 $0x1B8E;
	[sflag:s24] =	ssyncadd.s32 $0xFFFFFFFF  }
0xac: {  	s26 =	simm.s32 $execute0_lowered;
	[smem:$0x3FD2] =	sst s25  }
0xad: {  	s7 =	sshll.u32 s26, $0x1;
	_ =	strace $0x80000046;
	[dreg:$0x1] =	wrdreg $0xFFFFFFFF  }
0xae: {  	s28 =	simm.s32 $_size_execute0_lowered;
	s6 =	sadd.s32 s6, s7;
	[dreg:$0x0] =	wrdreg $0x0  }
0xaf: {  	s7 =	sshll.u32 s28, $0x1;
	[dreg:$0x2] =	wrdreg s6  }
0xb0: {  	[dreg:$0x3] =	wrdreg s7  }
0xb1: {  	[dreg:$0x4] =	wrdreg $0xC0  }
0xb2: {  	_ =	task [dreg:s10], $0x5FFFF  }
0xb3: {  	[dreg:$0x1] =	wrdreg $0xFFFFFFFF  }
0xb4: {  	[dreg:$0x0] =	wrdreg $0x60  }
0xb5: {  	[dreg:$0x2] =	wrdreg s4  }
0xb6: {  	[dreg:$0x3] =	wrdreg s16  }
0xb7: {  	[dreg:$0x4] =	wrdreg s17  }
0xb8: {  	[dreg:$0x5] =	wrdreg s18  }
0xb9: {  	[dreg:$0x6] =	wrdreg $0x9  }
0xba: {  	_ =	task.clear_ibuf [dreg:s10], $0x7FFFF;
	_ =	strace $0x90000046  }
0xbb: {  	s29 =	simm.s32 $0x9;
	_ =	strace $0x80000048  }
0xbc: {  	_ =	swait.ge [sflag:s29], $0x1  }
0xbd: {  	[sflag:s29] =	ssyncadd.s32 $0xFFFFFFFF  }
0xbe: {  	_ =	strace $0x90000048  }
0xbf: {  	_ =	sfence  }
0xc0: {  	s30 =	sld [smem:$0x0];
	_ =	sdelay $0x2  }
0xc1: {  	s31 =	sshll.u32 s1, $0xD;
	s1 =	sshrl.u32 s1, $0x2  }
0xc2: {  	s3 =	sand.u32 $0x4000, s31;
	s1 =	sadd.s32 s1, s30  }
0xc3: {  	s0 =	sor.u32 s3, s0;
	s1 =	sshll.u32 s1, $0x11  }
0xc4: {  	s0 =	sor.u32 s1, s0  }
0xc5: {  	s0 =	sadd.s32 $0x8F2B, s0  }
0xc6: {  	[sflag:s0] =	ssyncadd.remote.s32 $0x1  }
0xc7: {  	_ =	sfence.sel $0xFFFF  }
0xc8: {  	[dreg:$0x0] =	wrdreg $0xFFFFFFFF;
	(pc) =	sbr.abs _section_cstart, $3  }
0xc9: {  	[dreg:$0x1] =	wrdreg $0xFFFFFFFF  }
0xca: {  	_ =	task.clear_ibuf [dreg:s10], $0x2FFFF;
	_ =	strace $0x9FFFFFFF  }
0xcb: {  	(tm) =	ssettm $0x7FFFFFFF  }
tec
execute0_lowered:
.L_overlay_start_1:
0x0: {  	(tag) =	ssettag $0x1  }
0x1: {  	s1 =	rddreg [dreg:$0x0]  }
0x2: {  	s0 =	rddreg [dreg:$0x1]  }
0x3: {  	s2 =	rddreg [dreg:$0x2]  }
0x4: {  	s8 =	rddreg [dreg:$0x3]  }
0x5: {  	s4 =	srdreg.scid;
	s5 =	stileid.u32  }
0x6: {  	s3 =	simm.s32 $0x0;
	s12 =	simm.s32 $0x6;
	s13 =	simm.s32 $0x80  }
0x7: {  	s30 =	simm.s32 $0x8080;
	s17 =	simm.s32 $0xB880;
	s18 =	simm.s32 $0xC080  }
0x8: {  	s19 =	simm.s32 $0xC880;
	s20 =	simm.s32 $0xD080;
	s21 =	simm.s32 $0xD880  }
0x9: {  	s22 =	simm.s32 $0xE080;
	s23 =	simm.s32 $0xE880;
	s24 =	simm.s32 $0xF080  }
0xa: {  	s28 =	simm.s32 $0x1;
	s29 =	simm.s32 $0x2;
	s31 =	simm.s32 $0x3  }
0xb: {  	s14 =	simm.s32 $0x0;
	s4 =	sand.u32 $0x1, s4;
	s5 =	sshll.u32 s5, $0x1  }
0xc: {  	[smem:$0x7FF] =	sst s3;
	s6 =	ssub.s32 $0x2, s4;
	s7 =	sor.u32 s4, s5  }
0xd: {  	_ =	strace $0x80000047;
	s25 =	sshrl.u32 s6, $0x1;
	s5 =	sshll.u32 s7, $0x3  }
0xe: {  	s26 =	sshll.u32 s7, $0x7;
	s9 =	sshll.u32 s7, $0xD;
	s7 =	sadd.s32 $0x300, s1  }
0xf: {  	s11 =	ssub.s32 s6, s25;
	s4 =	sadd.s32 s0, s5;
	s5 =	sadd.s32 $0x100, s1  }
0x10: {  	v2 =	vlaneseq.u32;
	s6 =	sadd.s32 $0x200, s1;
	s8 =	sadd.s32 s8, s26;
	s9 =	sadd.s32 s2, s9  }
0x11: {  	vm0 =	vmmov $0xffff;
	v3 =	vimm.f32 $0.0e+00;
	v1 =	vshrl.u32 v2, $0x3;
	s25 =	simm.s32 $0xF880;
	s26 =	simm.s32 $0x10080;
	s0 =	simm.s32 $0x4  }
0x12: {  	v0 =	vand.u32 $0x7, v2;
	v2 =	vor.u32 $0x8, v2;
	v1 =	vmul.u32 $0x8, v1;
	s2 =	simm.s32 $0x5;
	s10 =	sadd.s32 $0x1000, s9;
	s11 =	smax.u32 s11, $0x1  }
.LBB2_1:
0x13: {  	[tilespmem:s3], [sflag:$0x6] =	stream.linear.gather [hbm4b:s4+s3], $0x40, $0x38;
	[tilespmem:$0x10480] =	vst v63  }
0x14: {  	_ =	swait.ge [sflag:s12], $0x40  }
0x15: {  	[sflag:s12] =	ssyncset.done $0x0  }
0x16: {  	[sflag:s12] =	ssyncadd.s32 $0xFFFFFFC0  }
0x17: {  	v4 =	vld [tilespmem:$0x0];
	_ =	sdelay $0x4  }
0x18: {  	v5 =	vshll.u32 v4, $0x3  }
0x19: {  	v4 =	vand.u32 $0x7, v4;
	v5 =	vand.u32 $0xFFFFFFC0, v5  }
0x1a: {  	v4 =	vor.u32 v4, v5  }
0x1b: {  	v5 =	vperm.xlane v4, v0;
	_ =	sdelay $0x1  }
0x1c: {  	v5 =	vadd.s32 v1, v5;
	_ =	sdelay $0x4  }
0x1d: {  	[tilespmem:s13], [sflag:$0x1] =	stream.indirect_vreg.gather [hbm4b:s1+s3], $0x80, v5, vm0, $0xb8;
	[tilespmem:$0x10480] =	vst v63  }
0x1e: {  	s15 =	simm.s32 $0x880;
	v4 =	vperm.xlane v4, v2  }
0x1f: {  	[tilespmem:s15], [sflag:$0x1] =	stream.indirect_vreg.gather [hbm4b:s5+s3], $0x80, v5, vm0, $0xb8;
	[tilespmem:$0x10480] =	vst v63  }
0x20: {  	s16 =	simm.s32 $0x1080;
	v4 =	vadd.s32 v1, v4  }
0x21: {  	[tilespmem:s16], [sflag:$0x1] =	stream.indirect_vreg.gather [hbm4b:s6+s3], $0x80, v5, vm0, $0xb8;
	[tilespmem:$0x10480] =	vst v63  }
0x22: {  	s16 =	simm.s32 $0x1880  }
0x23: {  	[tilespmem:s16], [sflag:$0x1] =	stream.indirect_vreg.gather [hbm4b:s7+s3], $0x80, v5, vm0, $0xb8;
	[tilespmem:$0x10480] =	vst v63  }
0x24: {  	s16 =	simm.s32 $0x2080  }
0x25: {  	[tilespmem:s16], [sflag:$0x1] =	stream.indirect_vreg.gather [hbm4b:s1+s3], $0x80, v4, vm0, $0xb8;
	[tilespmem:$0x10480] =	vst v63  }
0x26: {  	s16 =	simm.s32 $0x2880  }
0x27: {  	[tilespmem:s16], [sflag:$0x1] =	stream.indirect_vreg.gather [hbm4b:s5+s3], $0x80, v4, vm0, $0xb8;
	[tilespmem:$0x10480] =	vst v63  }
0x28: {  	s16 =	simm.s32 $0x3080  }
0x29: {  	[tilespmem:s16], [sflag:$0x1] =	stream.indirect_vreg.gather [hbm4b:s6+s3], $0x80, v4, vm0, $0xb8;
	[tilespmem:$0x10480] =	vst v63  }
0x2a: {  	s16 =	simm.s32 $0x3880  }
0x2b: {  	[tilespmem:s16], [sflag:$0x1] =	stream.indirect_vreg.gather [hbm4b:s7+s3], $0x80, v4, vm0, $0xb8;
	[tilespmem:$0x10480] =	vst v63  }
0x2c: {  	v4 =	vld [tilespmem:$0x10];
	_ =	sdelay $0x4  }
0x2d: {  	v5 =	vshll.u32 v4, $0x3  }
0x2e: {  	v4 =	vand.u32 $0x7, v4;
	v5 =	vand.u32 $0xFFFFFFC0, v5  }
0x2f: {  	v4 =	vor.u32 v4, v5  }
0x30: {  	v5 =	vperm.xlane v4, v0;
	_ =	sdelay $0x1  }
0x31: {  	v5 =	vadd.s32 v1, v5;
	_ =	sdelay $0x3  }
0x32: {  	s16 =	simm.s32 $0x4080  }
0x33: {  	[tilespmem:s16], [sflag:$0x1] =	stream.indirect_vreg.gather [hbm4b:s1+s3], $0x80, v5, vm0, $0xb8;
	[tilespmem:$0x10480] =	vst v63  }
0x34: {  	v4 =	vperm.xlane v4, v2;
	s16 =	simm.s32 $0x4880  }
0x35: {  	[tilespmem:s16], [sflag:$0x1] =	stream.indirect_vreg.gather [hbm4b:s5+s3], $0x80, v5, vm0, $0xb8;
	[tilespmem:$0x10480] =	vst v63  }
0x36: {  	v4 =	vadd.s32 v1, v4;
	s16 =	simm.s32 $0x5080  }
0x37: {  	[tilespmem:s16], [sflag:$0x1] =	stream.indirect_vreg.gather [hbm4b:s6+s3], $0x80, v5, vm0, $0xb8;
	[tilespmem:$0x10480] =	vst v63  }
0x38: {  	s16 =	simm.s32 $0x5880  }
0x39: {  	[tilespmem:s16], [sflag:$0x1] =	stream.indirect_vreg.gather [hbm4b:s7+s3], $0x80, v5, vm0, $0xb8;
	[tilespmem:$0x10480] =	vst v63  }
0x3a: {  	s16 =	simm.s32 $0x6080  }
0x3b: {  	[tilespmem:s16], [sflag:$0x1] =	stream.indirect_vreg.gather [hbm4b:s1+s3], $0x80, v4, vm0, $0xb8;
	[tilespmem:$0x10480] =	vst v63  }
0x3c: {  	s16 =	simm.s32 $0x6880  }
0x3d: {  	[tilespmem:s16], [sflag:$0x1] =	stream.indirect_vreg.gather [hbm4b:s5+s3], $0x80, v4, vm0, $0xb8;
	[tilespmem:$0x10480] =	vst v63  }
0x3e: {  	s16 =	simm.s32 $0x7080  }
0x3f: {  	[tilespmem:s16], [sflag:$0x1] =	stream.indirect_vreg.gather [hbm4b:s6+s3], $0x80, v4, vm0, $0xb8;
	[tilespmem:$0x10480] =	vst v63  }
0x40: {  	s16 =	simm.s32 $0x7880  }
0x41: {  	[tilespmem:s16], [sflag:$0x1] =	stream.indirect_vreg.gather [hbm4b:s7+s3], $0x80, v4, vm0, $0xb8;
	[tilespmem:$0x10480] =	vst v63  }
0x42: {  	v4 =	vld [tilespmem:$0x20];
	_ =	sdelay $0x4  }
0x43: {  	v5 =	vshll.u32 v4, $0x3  }
0x44: {  	v4 =	vand.u32 $0x7, v4;
	v5 =	vand.u32 $0xFFFFFFC0, v5  }
0x45: {  	v4 =	vor.u32 v4, v5  }
0x46: {  	v5 =	vperm.xlane v4, v0;
	_ =	sdelay $0x1  }
0x47: {  	v5 =	vadd.s32 v1, v5;
	_ =	sdelay $0x4  }
0x48: {  	[tilespmem:s30], [sflag:$0x2] =	stream.indirect_vreg.gather [hbm4b:s1+s3], $0x80, v5, vm0, $0xb8;
	[tilespmem:$0x10480] =	vst v63  }
0x49: {  	s16 =	simm.s32 $0x8880;
	v4 =	vperm.xlane v4, v2  }
0x4a: {  	[tilespmem:s16], [sflag:$0x2] =	stream.indirect_vreg.gather [hbm4b:s5+s3], $0x80, v5, vm0, $0xb8;
	[tilespmem:$0x10480] =	vst v63  }
0x4b: {  	v4 =	vadd.s32 v1, v4;
	s16 =	simm.s32 $0x9080  }
0x4c: {  	[tilespmem:s16], [sflag:$0x2] =	stream.indirect_vreg.gather [hbm4b:s6+s3], $0x80, v5, vm0, $0xb8;
	[tilespmem:$0x10480] =	vst v63  }
0x4d: {  	s16 =	simm.s32 $0x9880  }
0x4e: {  	[tilespmem:s16], [sflag:$0x2] =	stream.indirect_vreg.gather [hbm4b:s7+s3], $0x80, v5, vm0, $0xb8;
	[tilespmem:$0x10480] =	vst v63  }
0x4f: {  	s16 =	simm.s32 $0xA080  }
0x50: {  	[tilespmem:s16], [sflag:$0x2] =	stream.indirect_vreg.gather [hbm4b:s1+s3], $0x80, v4, vm0, $0xb8;
	[tilespmem:$0x10480] =	vst v63  }
0x51: {  	s16 =	simm.s32 $0xA880  }
0x52: {  	[tilespmem:s16], [sflag:$0x2] =	stream.indirect_vreg.gather [hbm4b:s5+s3], $0x80, v4, vm0, $0xb8;
	[tilespmem:$0x10480] =	vst v63  }
0x53: {  	s16 =	simm.s32 $0xB080  }
0x54: {  	[tilespmem:s16], [sflag:$0x2] =	stream.indirect_vreg.gather [hbm4b:s6+s3], $0x80, v4, vm0, $0xb8;
	[tilespmem:$0x10480] =	vst v63  }
0x55: {  	_ = 	snop  }
0x56: {  	[tilespmem:s17], [sflag:$0x2] =	stream.indirect_vreg.gather [hbm4b:s7+s3], $0x80, v4, vm0, $0xb8;
	[tilespmem:$0x10480] =	vst v63  }
0x57: {  	v4 =	vld [tilespmem:$0x30];
	_ =	sdelay $0x4  }
0x58: {  	v5 =	vshll.u32 v4, $0x3  }
0x59: {  	v4 =	vand.u32 $0x7, v4;
	v5 =	vand.u32 $0xFFFFFFC0, v5  }
0x5a: {  	v4 =	vor.u32 v4, v5  }
0x5b: {  	v5 =	vperm.xlane v4, v0;
	_ =	sdelay $0x1  }
0x5c: {  	v5 =	vadd.s32 v1, v5;
	_ =	sdelay $0x4  }
0x5d: {  	[tilespmem:s18], [sflag:$0x2] =	stream.indirect_vreg.gather [hbm4b:s1+s3], $0x80, v5, vm0, $0xb8;
	[tilespmem:$0x10480] =	vst v63  }
0x5e: {  	v4 =	vperm.xlane v4, v2  }
0x5f: {  	[tilespmem:s19], [sflag:$0x2] =	stream.indirect_vreg.gather [hbm4b:s5+s3], $0x80, v5, vm0, $0xb8;
	[tilespmem:$0x10480] =	vst v63  }
0x60: {  	v4 =	vadd.s32 v1, v4  }
0x61: {  	[tilespmem:s20], [sflag:$0x2] =	stream.indirect_vreg.gather [hbm4b:s6+s3], $0x80, v5, vm0, $0xb8;
	[tilespmem:$0x10480] =	vst v63  }
0x62: {  	_ = 	snop  }
0x63: {  	[tilespmem:s21], [sflag:$0x2] =	stream.indirect_vreg.gather [hbm4b:s7+s3], $0x80, v5, vm0, $0xb8;
	[tilespmem:$0x10480] =	vst v63  }
0x64: {  	_ = 	snop  }
0x65: {  	[tilespmem:s22], [sflag:$0x2] =	stream.indirect_vreg.gather [hbm4b:s1+s3], $0x80, v4, vm0, $0xb8;
	[tilespmem:$0x10480] =	vst v63  }
0x66: {  	_ = 	snop  }
0x67: {  	[tilespmem:s23], [sflag:$0x2] =	stream.indirect_vreg.gather [hbm4b:s5+s3], $0x80, v4, vm0, $0xb8;
	[tilespmem:$0x10480] =	vst v63  }
0x68: {  	_ = 	snop  }
0x69: {  	[tilespmem:s24], [sflag:$0x2] =	stream.indirect_vreg.gather [hbm4b:s6+s3], $0x80, v4, vm0, $0xb8;
	[tilespmem:$0x10480] =	vst v63  }
0x6a: {  	s15 =	simm.s32 $0x40;
	s16 =	simm.s32 $0x0  }
0x6b: {  	[tilespmem:s25], [sflag:$0x2] =	stream.indirect_vreg.gather [hbm4b:s7+s3], $0x80, v4, vm0, $0xb8;
	[tilespmem:$0x10480] =	vst v63  }
.LBB2_2:
0x6c: {  	p0 =	sne.s32 s15, $0xFC0;
	[tilespmem:s16+$0x10080] =	vst v3;
	s16 =	smov.u32 s15;
	s15 =	sadd.s32 $0x40, s15  }
.Ltmp0:
0x6d: {  	(pc) =	sbr.rel @p0 .LBB2_2-.Ltmp0, $2  }
0x6e: {  	_ =	sdelay $0x2  }
0x6f: {  	s16 =	sshra.s32 s16, $0x2  }
0x70: {  	[tilespmem:s16+$0x10080] =	vst v3  }
0x71: {  	[hbm4b:s8+s3] =	stream.linear.scatter [tilespmem:s26], [sflag:$0x5], $0x400, $0x38;
	[tilespmem:$0x10480] =	vst v63  }
0x72: {  	_ =	swait.ge [sflag:s28], $0x8000  }
0x73: {  	[sflag:s28] =	ssyncset.done $0x0  }
0x74: {  	[sflag:s28] =	ssyncadd.s32 $0xFFFF8000  }
0x75: {  	[hbm4b:s9+s3] =	stream.linear.scatter [tilespmem:s13], [sflag:$0x3], $0x8000, $0x38;
	[tilespmem:$0x10480] =	vst v63  }
0x76: {  	_ =	swait.ge [sflag:s29], $0x8000  }
0x77: {  	[sflag:s29] =	ssyncset.done $0x0  }
0x78: {  	[sflag:s29] =	ssyncadd.s32 $0xFFFF8000  }
0x79: {  	[hbm4b:s10+s3] =	stream.linear.scatter [tilespmem:s30], [sflag:$0x4], $0x8000, $0x38;
	[tilespmem:$0x10480] =	vst v63  }
0x7a: {  	_ =	swait.ge [sflag:s31], $0x8000  }
0x7b: {  	[sflag:s31] =	ssyncset.done $0x0  }
0x7c: {  	s14 =	sadd.s32 $0x1, s14;
	[sflag:s31] =	ssyncadd.s32 $0xFFFF8000  }
0x7d: {  	p0 =	sne.s32 s14, s11;
	_ =	swait.ge [sflag:s0], $0x8000  }
.Ltmp1:
0x7e: {  	[sflag:s0] =	ssyncset.done $0x0;
	(pc) =	sbr.rel @p0 .LBB2_1-.Ltmp1, $4  }
0x7f: {  	[sflag:s0] =	ssyncadd.s32 $0xFFFF8000  }
0x80: {  	_ =	swait.ge [sflag:s2], $0x400  }
0x81: {  	[sflag:s2] =	ssyncset.done $0x0  }
0x82: {  	[sflag:s2] =	ssyncadd.s32 $0xFFFFFC00  }
0x83: {  	_ =	sfence.sel $0x180000  }
0x84: {  	[bflag:$0x0] =	sbarrier.arrive $0xFFFF  }
0x85: {  	_ =	strace $0x90000047  }
0x86: {  	s0 =	stileid.u32;
	[bflag:$0x2] =	sbarrier.arrive $0xFFFF  }
0x87: {  	p0 =	sne.s32 s0, $0x0;
	s0 =	rddreg [dreg:$0x4]  }
0x88: {  	s0 =	sadd.s32 @!p0 $0x100000, s0  }
0x89: {  	[sflag:s0] =	ssyncadd.tile.s32 @!p0 $0x1;
	_ =	shalt  }
.Lfunc_end2:
_tile_overlayer_lowered:
.L_overlay_start_2:
0x8a: {  	(tag) =	ssettag $0x2  }
0x8b: {  	s0 =	rddreg [dreg:$0x0];
	s2 =	stileid.u32  }
0x8c: {  	s1 =	rddreg [dreg:$0x1];
	p0 =	sne.s32 s2, $0x0  }
0x8d: {  	s3 =	rddreg [dreg:$0x2];
	[bflag:$0x3] =	sbarrier.arrive $0xFFFF;
	s2 =	simm.s32 @!p0 $0x1C06  }
0x8e: {  	[timem:s3], [sflag:s2] =	dma.local @!p0 [hbm:s0], s1  }
0x8f: {  	s0 =	simm.s32 @!p0 $0x6  }
0x90: {  	_ =	swait.ge @!p0 [sflag:s0], s1  }
0x91: {  	s1 =	ssub.s32 @!p0 $0x0, s1;
	[sflag:s0] =	ssyncset.done @!p0 $0x0  }
0x92: {  	[sflag:s0] =	ssyncadd.s32 @!p0 s1  }
0x93: {  	[bflag:$0x3] =	sbarrier.arrive $0xFFFF  }
0x94: {  	_ =	shalt  }

</sc_bundles>
